<compile_context>
chip_gen: v7x
topology: tpu7x:2x2x1
jax: 0.10.2.dev20260603
libtpu: 0.0.44.dev20260713+nightly
codegen_flags: <defaults>
</compile_context>

<pallas_src>
import jax
import jax.numpy as jnp
from jax import lax
from jax.experimental import pallas as pl
from jax.experimental.pallas import tpu as pltpu
from jax.experimental.pallas import tpu_sc as plsc

_B = 16384
_D = 64
_LANES = 16

_INFO = plsc.get_sparse_core_info()
_NC = _INFO.num_cores
_NS = _INFO.num_subcores
_NW = _NC * _NS
_BPW = _B // _NW
_CHUNK = 256
_NCHUNK = _BPW // _CHUNK


def _body(idx_hbm, single_hbm, cat_hbm, out_hbm,
          idxp_v, idxc_v, rows_a, rows_b,
          sem_idx, sem_w, *sems_ab):
    sems_a = sems_ab[:_NCHUNK]
    sems_b = sems_ab[_NCHUNK:]
    wid = lax.axis_index("s") * _NC + lax.axis_index("c")
    base = wid * _BPW

    cp0 = pltpu.async_copy(idx_hbm.at[pl.ds(base, _BPW)], idxp_v, sem_idx)
    cp1 = pltpu.async_copy(idx_hbm.at[pl.ds(_B + base, _BPW)], idxc_v, sem_idx)
    cp0.wait()
    cp1.wait()

    gathers = []
    for j in range(_NCHUNK):
        sl = pl.ds(j * _CHUNK, _CHUNK)
        gathers.append((
            pltpu.async_copy(single_hbm.at[idxp_v.at[sl]], rows_a.at[sl],
                             sems_a[j]),
            pltpu.async_copy(cat_hbm.at[idxc_v.at[sl]], rows_b.at[sl],
                             sems_b[j]),
        ))

    writes = []
    for j in range(_NCHUNK):
        ga, gb = gathers[j]
        ga.wait()
        gb.wait()

        @plsc.parallel_loop(j * _CHUNK, (j + 1) * _CHUNK, unroll=4)
        def add_row(i):
            for t in range(_D // _LANES):
                sl = pl.ds(t * _LANES, _LANES)
                rows_a[i, sl] = rows_a[i, sl] + rows_b[i, sl]

        writes.append(pltpu.async_copy(
            rows_a.at[pl.ds(j * _CHUNK, _CHUNK)],
            out_hbm.at[pl.ds(base + j * _CHUNK, _CHUNK), pl.ds(0, _D)],
            sem_w))
    for cp in writes:
        cp.wait()


@jax.jit
def _poi_embedding(idx_flat, single_embeddings, category_embeddings):
    mesh = plsc.VectorSubcoreMesh(core_axis_name="c", subcore_axis_name="s")
    kfn = pl.kernel(
        _body,
        out_type=jax.ShapeDtypeStruct((_B, 128), jnp.float32),
        mesh=mesh,
        scratch_types=[
            pltpu.VMEM((_BPW,), jnp.int32),
            pltpu.VMEM((_BPW,), jnp.int32),
            pltpu.VMEM((_BPW, _D), jnp.float32),
            pltpu.VMEM((_BPW, _D), jnp.float32),
            pltpu.SemaphoreType.DMA,
            pltpu.SemaphoreType.DMA,
        ] + [pltpu.SemaphoreType.DMA] * (2 * _NCHUNK),
        compiler_params=pltpu.CompilerParams(use_tc_tiling_on_sc=False),
    )
    return kfn(idx_flat, single_embeddings, category_embeddings)


def kernel(poi_vec, category_embeddings, single_embeddings):
    idx_flat = poi_vec.T.reshape(2 * _B)
    out_wide = _poi_embedding(idx_flat, single_embeddings, category_embeddings)
    return out_wide[:, :_D]

# --- scband reference (transcript-rebuilt; emitter-appended) ---
"""Pipeline reference for scband-poiembedding-layer-21406117003330 (READ-ONLY COPY).

The authoritative reference and input builder live on the scoring server;
editing this copy changes nothing except your own understanding.
"""

import jax, jax.numpy as jnp
import numpy as np

HIDDEN_DIM = 64
NUM_CATEGORIES = 400
NUM_POIS = 1000
BATCH = 16384


def setup_inputs(seed: int = 0) -> dict:
    key = jax.random.key(seed)
    k1, k2, k3 = jax.random.split(key, 3)
    poi_vec = jax.random.randint(k1, (BATCH, 2), 0, 400, dtype=jnp.int32)
    category_embeddings = jax.random.normal(k2, (NUM_CATEGORIES, HIDDEN_DIM), dtype=jnp.float32)
    single_embeddings = jax.random.normal(k3, (NUM_POIS, HIDDEN_DIM), dtype=jnp.float32)
    return {
        "poi_vec": poi_vec,
        "category_embeddings": category_embeddings,
        "single_embeddings": single_embeddings,
    }


def reference(poi_vec, category_embeddings, single_embeddings):
    pv = poi_vec.T
    poi_index = pv[0]
    cate_index = pv[1]
    cate = jnp.take(category_embeddings, cate_index, axis=0)
    single = jnp.take(single_embeddings, poi_index, axis=0)
    poi_embedding = cate + single
    return poi_embedding

if __name__ == "__main__":
    import jax
    _d = setup_inputs()
    print(jax.jit(kernel)(*tuple(_d.values())))

</pallas_src>

<mosaic_0001>
#map = affine_map<(d0, d1) -> (0)>
#map1 = affine_map<(d0, d1) -> (0, 0)>
module attributes {stable_mosaic.version = 14 : i64} {
  func.func @_body(%arg0: i32, %arg1: i32, %arg2: memref<32768xi32, #tpu.memory_space<hbm>>, %arg3: memref<1000x64xf32, #tpu.memory_space<hbm>>, %arg4: memref<400x64xf32, #tpu.memory_space<hbm>>, %arg5: memref<16384x128xf32, #tpu.memory_space<hbm>>, %arg6: memref<512xi32, #tpu.memory_space<vmem>>, %arg7: memref<512xi32, #tpu.memory_space<vmem>>, %arg8: memref<512x64xf32, #tpu.memory_space<vmem>>, %arg9: memref<512x64xf32, #tpu.memory_space<vmem>>, %arg10: memref<!tpu.dma_semaphore, #tpu.memory_space<semaphore_mem>>, %arg11: memref<!tpu.dma_semaphore, #tpu.memory_space<semaphore_mem>>, %arg12: memref<!tpu.dma_semaphore, #tpu.memory_space<semaphore_mem>>, %arg13: memref<!tpu.dma_semaphore, #tpu.memory_space<semaphore_mem>>, %arg14: memref<!tpu.dma_semaphore, #tpu.memory_space<semaphore_mem>>, %arg15: memref<!tpu.dma_semaphore, #tpu.memory_space<semaphore_mem>>) attributes {dimension_semantics = [#tpu.dimension_semantics<core_parallel>, #tpu.dimension_semantics<subcore_parallel>], iteration_bounds = array<i64: 2, 16>, scalar_prefetch = 0 : i64, scratch_operands = 10 : i64, tpu.core_type = #tpu.core_type<sc_vector_subcore>, window_params = [{transform_indices = #map}, {transform_indices = #map1}, {transform_indices = #map1}, {transform_indices = #map1}]} {
    %mul3A = arith.constant 2 : i32
    %mul3A_0 = arith.muli %arg1, %mul3A : i32
    %add3A = arith.addi %mul3A_0, %arg0 : i32
    %mul3A_1 = arith.constant 512 : i32
    %mul3A_2 = arith.muli %add3A, %mul3A_1 : i32
    %dma_start3A = tpu.memref_slice %arg2[%mul3A_2] : memref<32768xi32, #tpu.memory_space<hbm>> -> memref<512xi32, #tpu.memory_space<hbm>>
    %dma_start3A_3 = tpu.memref_slice %arg2[%mul3A_2] : memref<32768xi32, #tpu.memory_space<hbm>> -> memref<512xi32, #tpu.memory_space<hbm>>
    tpu.enqueue_dma source(%dma_start3A_3 : memref<512xi32, #tpu.memory_space<hbm>>) target(%arg6 : memref<512xi32, #tpu.memory_space<vmem>>) target_semaphore(%arg10 : memref<!tpu.dma_semaphore, #tpu.memory_space<semaphore_mem>>)
    %add3A_4 = arith.constant 16384 : i32
    %add3A_5 = arith.addi %add3A_4, %mul3A_2 : i32
    %dma_start3A_6 = tpu.memref_slice %arg2[%add3A_5] : memref<32768xi32, #tpu.memory_space<hbm>> -> memref<512xi32, #tpu.memory_space<hbm>>
    %dma_start3A_7 = tpu.memref_slice %arg2[%add3A_5] : memref<32768xi32, #tpu.memory_space<hbm>> -> memref<512xi32, #tpu.memory_space<hbm>>
    tpu.enqueue_dma source(%dma_start3A_7 : memref<512xi32, #tpu.memory_space<hbm>>) target(%arg7 : memref<512xi32, #tpu.memory_space<vmem>>) target_semaphore(%arg10 : memref<!tpu.dma_semaphore, #tpu.memory_space<semaphore_mem>>)
    %dma_wait3A = tpu.memref_slice %arg2[%mul3A_2] : memref<32768xi32, #tpu.memory_space<hbm>> -> memref<512xi32, #tpu.memory_space<hbm>>
    %dma_wait3A_8 = tpu.memref_slice %arg2[%mul3A_2] : memref<32768xi32, #tpu.memory_space<hbm>> -> memref<512xi32, #tpu.memory_space<hbm>>
    tpu.wait_dma2 semaphore(%arg10 : memref<!tpu.dma_semaphore, #tpu.memory_space<semaphore_mem>>) src(%dma_wait3A_8 : memref<512xi32, #tpu.memory_space<hbm>>) dst(%arg6 : memref<512xi32, #tpu.memory_space<vmem>>)
    %dma_wait3A_9 = tpu.memref_slice %arg2[%add3A_5] : memref<32768xi32, #tpu.memory_space<hbm>> -> memref<512xi32, #tpu.memory_space<hbm>>
    %dma_wait3A_10 = tpu.memref_slice %arg2[%add3A_5] : memref<32768xi32, #tpu.memory_space<hbm>> -> memref<512xi32, #tpu.memory_space<hbm>>
    tpu.wait_dma2 semaphore(%arg10 : memref<!tpu.dma_semaphore, #tpu.memory_space<semaphore_mem>>) src(%dma_wait3A_10 : memref<512xi32, #tpu.memory_space<hbm>>) dst(%arg7 : memref<512xi32, #tpu.memory_space<vmem>>)
    %dma_start3A_11 = arith.constant 0 : i32
    %dma_start3A_12 = arith.constant 0 : i32
    %dma_start3A_13 = tpu.memref_slice %arg8[%dma_start3A_11, %dma_start3A_12] : memref<512x64xf32, #tpu.memory_space<vmem>> -> memref<256x64xf32, #tpu.memory_space<vmem>>
    %dma_start3A_14 = arith.constant 0 : i32
    %dma_start3A_15 = tpu.memref_slice %arg6[%dma_start3A_14] : memref<512xi32, #tpu.memory_space<vmem>> -> memref<256xi32, #tpu.memory_space<vmem>>
    %dma_start3A_16 = arith.constant 0 : i32
    %dma_start3A_17 = arith.constant 0 : i32
    %dma_start3A_18 = tpu.memref_slice %arg3[%dma_start3A_16, %dma_start3A_17] : memref<1000x64xf32, #tpu.memory_space<hbm>> -> memref<1000x64xf32, #tpu.memory_space<hbm>>
    tpu.enqueue_indirect_dma source(%dma_start3A_18 : memref<1000x64xf32, #tpu.memory_space<hbm>>) target(%dma_start3A_13 : memref<256x64xf32, #tpu.memory_space<vmem>>) offsets(%dma_start3A_15 : memref<256xi32, #tpu.memory_space<vmem>>) semaphore(%arg12 : memref<!tpu.dma_semaphore, #tpu.memory_space<semaphore_mem>>)
    %dma_start3A_19 = arith.constant 0 : i32
    %dma_start3A_20 = arith.constant 0 : i32
    %dma_start3A_21 = tpu.memref_slice %arg9[%dma_start3A_19, %dma_start3A_20] : memref<512x64xf32, #tpu.memory_space<vmem>> -> memref<256x64xf32, #tpu.memory_space<vmem>>
    %dma_start3A_22 = arith.constant 0 : i32
    %dma_start3A_23 = tpu.memref_slice %arg7[%dma_start3A_22] : memref<512xi32, #tpu.memory_space<vmem>> -> memref<256xi32, #tpu.memory_space<vmem>>
    %dma_start3A_24 = arith.constant 0 : i32
    %dma_start3A_25 = arith.constant 0 : i32
    %dma_start3A_26 = tpu.memref_slice %arg4[%dma_start3A_24, %dma_start3A_25] : memref<400x64xf32, #tpu.memory_space<hbm>> -> memref<400x64xf32, #tpu.memory_space<hbm>>
    tpu.enqueue_indirect_dma source(%dma_start3A_26 : memref<400x64xf32, #tpu.memory_space<hbm>>) target(%dma_start3A_21 : memref<256x64xf32, #tpu.memory_space<vmem>>) offsets(%dma_start3A_23 : memref<256xi32, #tpu.memory_space<vmem>>) semaphore(%arg14 : memref<!tpu.dma_semaphore, #tpu.memory_space<semaphore_mem>>)
    %dma_start3A_27 = arith.constant 256 : i32
    %dma_start3A_28 = arith.constant 0 : i32
    %dma_start3A_29 = tpu.memref_slice %arg8[%dma_start3A_27, %dma_start3A_28] : memref<512x64xf32, #tpu.memory_space<vmem>> -> memref<256x64xf32, #tpu.memory_space<vmem>>
    %dma_start3A_30 = arith.constant 256 : i32
    %dma_start3A_31 = tpu.memref_slice %arg6[%dma_start3A_30] : memref<512xi32, #tpu.memory_space<vmem>> -> memref<256xi32, #tpu.memory_space<vmem>>
    %dma_start3A_32 = arith.constant 0 : i32
    %dma_start3A_33 = arith.constant 0 : i32
    %dma_start3A_34 = tpu.memref_slice %arg3[%dma_start3A_32, %dma_start3A_33] : memref<1000x64xf32, #tpu.memory_space<hbm>> -> memref<1000x64xf32, #tpu.memory_space<hbm>>
    tpu.enqueue_indirect_dma source(%dma_start3A_34 : memref<1000x64xf32, #tpu.memory_space<hbm>>) target(%dma_start3A_29 : memref<256x64xf32, #tpu.memory_space<vmem>>) offsets(%dma_start3A_31 : memref<256xi32, #tpu.memory_space<vmem>>) semaphore(%arg13 : memref<!tpu.dma_semaphore, #tpu.memory_space<semaphore_mem>>)
    %dma_start3A_35 = arith.constant 256 : i32
    %dma_start3A_36 = arith.constant 0 : i32
    %dma_start3A_37 = tpu.memref_slice %arg9[%dma_start3A_35, %dma_start3A_36] : memref<512x64xf32, #tpu.memory_space<vmem>> -> memref<256x64xf32, #tpu.memory_space<vmem>>
    %dma_start3A_38 = arith.constant 256 : i32
    %dma_start3A_39 = tpu.memref_slice %arg7[%dma_start3A_38] : memref<512xi32, #tpu.memory_space<vmem>> -> memref<256xi32, #tpu.memory_space<vmem>>
    %dma_start3A_40 = arith.constant 0 : i32
    %dma_start3A_41 = arith.constant 0 : i32
    %dma_start3A_42 = tpu.memref_slice %arg4[%dma_start3A_40, %dma_start3A_41] : memref<400x64xf32, #tpu.memory_space<hbm>> -> memref<400x64xf32, #tpu.memory_space<hbm>>
    tpu.enqueue_indirect_dma source(%dma_start3A_42 : memref<400x64xf32, #tpu.memory_space<hbm>>) target(%dma_start3A_37 : memref<256x64xf32, #tpu.memory_space<vmem>>) offsets(%dma_start3A_39 : memref<256xi32, #tpu.memory_space<vmem>>) semaphore(%arg15 : memref<!tpu.dma_semaphore, #tpu.memory_space<semaphore_mem>>)
    %dma_wait3A_43 = arith.constant 0 : i32
    %dma_wait3A_44 = arith.constant 0 : i32
    %dma_wait3A_45 = tpu.memref_slice %arg8[%dma_wait3A_43, %dma_wait3A_44] : memref<512x64xf32, #tpu.memory_space<vmem>> -> memref<256x64xf32, #tpu.memory_space<vmem>>
    %dma_wait3A_46 = arith.constant 0 : i32
    %dma_wait3A_47 = tpu.memref_slice %arg6[%dma_wait3A_46] : memref<512xi32, #tpu.memory_space<vmem>> -> memref<256xi32, #tpu.memory_space<vmem>>
    %dma_wait3A_48 = arith.constant 0 : i32
    %dma_wait3A_49 = arith.constant 0 : i32
    %dma_wait3A_50 = tpu.memref_slice %arg3[%dma_wait3A_48, %dma_wait3A_49] : memref<1000x64xf32, #tpu.memory_space<hbm>> -> memref<1000x64xf32, #tpu.memory_space<hbm>>
    tpu.wait_indirect_dma semaphore(%arg12 : memref<!tpu.dma_semaphore, #tpu.memory_space<semaphore_mem>>) src(%dma_wait3A_50 : memref<1000x64xf32, #tpu.memory_space<hbm>>) dst(%dma_wait3A_45 : memref<256x64xf32, #tpu.memory_space<vmem>>)
    %dma_wait3A_51 = arith.constant 0 : i32
    %dma_wait3A_52 = arith.constant 0 : i32
    %dma_wait3A_53 = tpu.memref_slice %arg9[%dma_wait3A_51, %dma_wait3A_52] : memref<512x64xf32, #tpu.memory_space<vmem>> -> memref<256x64xf32, #tpu.memory_space<vmem>>
    %dma_wait3A_54 = arith.constant 0 : i32
    %dma_wait3A_55 = tpu.memref_slice %arg7[%dma_wait3A_54] : memref<512xi32, #tpu.memory_space<vmem>> -> memref<256xi32, #tpu.memory_space<vmem>>
    %dma_wait3A_56 = arith.constant 0 : i32
    %dma_wait3A_57 = arith.constant 0 : i32
    %dma_wait3A_58 = tpu.memref_slice %arg4[%dma_wait3A_56, %dma_wait3A_57] : memref<400x64xf32, #tpu.memory_space<hbm>> -> memref<400x64xf32, #tpu.memory_space<hbm>>
    tpu.wait_indirect_dma semaphore(%arg14 : memref<!tpu.dma_semaphore, #tpu.memory_space<semaphore_mem>>) src(%dma_wait3A_58 : memref<400x64xf32, #tpu.memory_space<hbm>>) dst(%dma_wait3A_53 : memref<256x64xf32, #tpu.memory_space<vmem>>)
    %parallel_loop3A = arith.constant 0 : i32
    %parallel_loop3A_59 = arith.constant 256 : i32
    %parallel_loop3A_60 = arith.constant 1 : i32
    scf.for %parallel_loop3A_124 = %parallel_loop3A to %parallel_loop3A_59 step %parallel_loop3A_60  : i32 {
      %parallel_loop3A_125 = arith.index_cast %parallel_loop3A_124 : i32 to index
      %parallel_loop3A_126 = arith.constant 0 : index
      %parallel_loop3A_127 = tpu.vector_load %arg8[%parallel_loop3A_125, %parallel_loop3A_126] {strides = array<i32>} : memref<512x64xf32, #tpu.memory_space<vmem>>, vector<1x16xf32>,
      %parallel_loop3A_128 = vector.shape_cast %parallel_loop3A_127 : vector<1x16xf32> to vector<16xf32>
      %parallel_loop3A_129 = arith.index_cast %parallel_loop3A_124 : i32 to index
      %parallel_loop3A_130 = arith.constant 0 : index
      %parallel_loop3A_131 = tpu.vector_load %arg9[%parallel_loop3A_129, %parallel_loop3A_130] {strides = array<i32>} : memref<512x64xf32, #tpu.memory_space<vmem>>, vector<1x16xf32>,
      %parallel_loop3A_132 = vector.shape_cast %parallel_loop3A_131 : vector<1x16xf32> to vector<16xf32>
      %parallel_loop3A_133 = arith.addf %parallel_loop3A_128, %parallel_loop3A_132 : vector<16xf32>
      %parallel_loop3A_134 = arith.index_cast %parallel_loop3A_124 : i32 to index
      %parallel_loop3A_135 = arith.constant 0 : index
      %parallel_loop3A_136 = tpu.vector_load %arg8[%parallel_loop3A_134, %parallel_loop3A_135] {strides = array<i32>} : memref<512x64xf32, #tpu.memory_space<vmem>>, vector<1x16xf32>,
      %parallel_loop3A_137 = vector.shape_cast %parallel_loop3A_136 : vector<1x16xf32> to vector<16xf32>
      %parallel_loop3A_138 = vector.shape_cast %parallel_loop3A_133 : vector<16xf32> to vector<1x16xf32>
      tpu.vector_store %arg8[%parallel_loop3A_134, %parallel_loop3A_135], %parallel_loop3A_138 {strides = array<i32>} : memref<512x64xf32, #tpu.memory_space<vmem>>, vector<1x16xf32>,
      %parallel_loop3A_139 = arith.index_cast %parallel_loop3A_124 : i32 to index
      %parallel_loop3A_140 = arith.constant 16 : index
      %parallel_loop3A_141 = tpu.vector_load %arg8[%parallel_loop3A_139, %parallel_loop3A_140] {strides = array<i32>} : memref<512x64xf32, #tpu.memory_space<vmem>>, vector<1x16xf32>,
      %parallel_loop3A_142 = vector.shape_cast %parallel_loop3A_141 : vector<1x16xf32> to vector<16xf32>
      %parallel_loop3A_143 = arith.index_cast %parallel_loop3A_124 : i32 to index
      %parallel_loop3A_144 = arith.constant 16 : index
      %parallel_loop3A_145 = tpu.vector_load %arg9[%parallel_loop3A_143, %parallel_loop3A_144] {strides = array<i32>} : memref<512x64xf32, #tpu.memory_space<vmem>>, vector<1x16xf32>,
      %parallel_loop3A_146 = vector.shape_cast %parallel_loop3A_145 : vector<1x16xf32> to vector<16xf32>
      %parallel_loop3A_147 = arith.addf %parallel_loop3A_142, %parallel_loop3A_146 : vector<16xf32>
      %parallel_loop3A_148 = arith.index_cast %parallel_loop3A_124 : i32 to index
      %parallel_loop3A_149 = arith.constant 16 : index
      %parallel_loop3A_150 = tpu.vector_load %arg8[%parallel_loop3A_148, %parallel_loop3A_149] {strides = array<i32>} : memref<512x64xf32, #tpu.memory_space<vmem>>, vector<1x16xf32>,
      %parallel_loop3A_151 = vector.shape_cast %parallel_loop3A_150 : vector<1x16xf32> to vector<16xf32>
      %parallel_loop3A_152 = vector.shape_cast %parallel_loop3A_147 : vector<16xf32> to vector<1x16xf32>
      tpu.vector_store %arg8[%parallel_loop3A_148, %parallel_loop3A_149], %parallel_loop3A_152 {strides = array<i32>} : memref<512x64xf32, #tpu.memory_space<vmem>>, vector<1x16xf32>,
      %parallel_loop3A_153 = arith.index_cast %parallel_loop3A_124 : i32 to index
      %parallel_loop3A_154 = arith.constant 32 : index
      %parallel_loop3A_155 = tpu.vector_load %arg8[%parallel_loop3A_153, %parallel_loop3A_154] {strides = array<i32>} : memref<512x64xf32, #tpu.memory_space<vmem>>, vector<1x16xf32>,
      %parallel_loop3A_156 = vector.shape_cast %parallel_loop3A_155 : vector<1x16xf32> to vector<16xf32>
      %parallel_loop3A_157 = arith.index_cast %parallel_loop3A_124 : i32 to index
      %parallel_loop3A_158 = arith.constant 32 : index
      %parallel_loop3A_159 = tpu.vector_load %arg9[%parallel_loop3A_157, %parallel_loop3A_158] {strides = array<i32>} : memref<512x64xf32, #tpu.memory_space<vmem>>, vector<1x16xf32>,
      %parallel_loop3A_160 = vector.shape_cast %parallel_loop3A_159 : vector<1x16xf32> to vector<16xf32>
      %parallel_loop3A_161 = arith.addf %parallel_loop3A_156, %parallel_loop3A_160 : vector<16xf32>
      %parallel_loop3A_162 = arith.index_cast %parallel_loop3A_124 : i32 to index
      %parallel_loop3A_163 = arith.constant 32 : index
      %parallel_loop3A_164 = tpu.vector_load %arg8[%parallel_loop3A_162, %parallel_loop3A_163] {strides = array<i32>} : memref<512x64xf32, #tpu.memory_space<vmem>>, vector<1x16xf32>,
      %parallel_loop3A_165 = vector.shape_cast %parallel_loop3A_164 : vector<1x16xf32> to vector<16xf32>
      %parallel_loop3A_166 = vector.shape_cast %parallel_loop3A_161 : vector<16xf32> to vector<1x16xf32>
      tpu.vector_store %arg8[%parallel_loop3A_162, %parallel_loop3A_163], %parallel_loop3A_166 {strides = array<i32>} : memref<512x64xf32, #tpu.memory_space<vmem>>, vector<1x16xf32>,
      %parallel_loop3A_167 = arith.index_cast %parallel_loop3A_124 : i32 to index
      %parallel_loop3A_168 = arith.constant 48 : index
      %parallel_loop3A_169 = tpu.vector_load %arg8[%parallel_loop3A_167, %parallel_loop3A_168] {strides = array<i32>} : memref<512x64xf32, #tpu.memory_space<vmem>>, vector<1x16xf32>,
      %parallel_loop3A_170 = vector.shape_cast %parallel_loop3A_169 : vector<1x16xf32> to vector<16xf32>
      %parallel_loop3A_171 = arith.index_cast %parallel_loop3A_124 : i32 to index
      %parallel_loop3A_172 = arith.constant 48 : index
      %parallel_loop3A_173 = tpu.vector_load %arg9[%parallel_loop3A_171, %parallel_loop3A_172] {strides = array<i32>} : memref<512x64xf32, #tpu.memory_space<vmem>>, vector<1x16xf32>,
      %parallel_loop3A_174 = vector.shape_cast %parallel_loop3A_173 : vector<1x16xf32> to vector<16xf32>
      %parallel_loop3A_175 = arith.addf %parallel_loop3A_170, %parallel_loop3A_174 : vector<16xf32>
      %parallel_loop3A_176 = arith.index_cast %parallel_loop3A_124 : i32 to index
      %parallel_loop3A_177 = arith.constant 48 : index
      %parallel_loop3A_178 = tpu.vector_load %arg8[%parallel_loop3A_176, %parallel_loop3A_177] {strides = array<i32>} : memref<512x64xf32, #tpu.memory_space<vmem>>, vector<1x16xf32>,
      %parallel_loop3A_179 = vector.shape_cast %parallel_loop3A_178 : vector<1x16xf32> to vector<16xf32>
      %parallel_loop3A_180 = vector.shape_cast %parallel_loop3A_175 : vector<16xf32> to vector<1x16xf32>
      tpu.vector_store %arg8[%parallel_loop3A_176, %parallel_loop3A_177], %parallel_loop3A_180 {strides = array<i32>} : memref<512x64xf32, #tpu.memory_space<vmem>>, vector<1x16xf32>,
    } {sc.loop_unroll_factor = 4 : i64, sc.parallel_access}
    %add3A_61 = arith.constant 0 : i32
    %add3A_62 = arith.addi %mul3A_2, %add3A_61 : i32
    %dma_start3A_63 = arith.constant 0 : i32
    %dma_start3A_64 = arith.constant 0 : i32
    %dma_start3A_65 = tpu.memref_slice %arg8[%dma_start3A_63, %dma_start3A_64] : memref<512x64xf32, #tpu.memory_space<vmem>> -> memref<256x64xf32, #tpu.memory_space<vmem>>
    %dma_start3A_66 = arith.constant 0 : i32
    %dma_start3A_67 = tpu.memref_slice %arg5[%add3A_62, %dma_start3A_66] : memref<16384x128xf32, #tpu.memory_space<hbm>> -> memref<256x64xf32, #tpu.memory_space<hbm>>
    %dma_start3A_68 = arith.constant 0 : i32
    %dma_start3A_69 = tpu.memref_slice %arg5[%add3A_62, %dma_start3A_68] : memref<16384x128xf32, #tpu.memory_space<hbm>> -> memref<256x64xf32, #tpu.memory_space<hbm>>
    %dma_start3A_70 = arith.constant 0 : i32
    %dma_start3A_71 = arith.constant 0 : i32
    %dma_start3A_72 = tpu.memref_slice %arg8[%dma_start3A_70, %dma_start3A_71] : memref<512x64xf32, #tpu.memory_space<vmem>> -> memref<256x64xf32, #tpu.memory_space<vmem>>
    tpu.enqueue_dma source(%dma_start3A_72 : memref<256x64xf32, #tpu.memory_space<vmem>>) target(%dma_start3A_69 : memref<256x64xf32, #tpu.memory_space<hbm>>) target_semaphore(%arg11 : memref<!tpu.dma_semaphore, #tpu.memory_space<semaphore_mem>>)
    %dma_wait3A_73 = arith.constant 256 : i32
    %dma_wait3A_74 = arith.constant 0 : i32
    %dma_wait3A_75 = tpu.memref_slice %arg8[%dma_wait3A_73, %dma_wait3A_74] : memref<512x64xf32, #tpu.memory_space<vmem>> -> memref<256x64xf32, #tpu.memory_space<vmem>>
    %dma_wait3A_76 = arith.constant 256 : i32
    %dma_wait3A_77 = tpu.memref_slice %arg6[%dma_wait3A_76] : memref<512xi32, #tpu.memory_space<vmem>> -> memref<256xi32, #tpu.memory_space<vmem>>
    %dma_wait3A_78 = arith.constant 0 : i32
    %dma_wait3A_79 = arith.constant 0 : i32
    %dma_wait3A_80 = tpu.memref_slice %arg3[%dma_wait3A_78, %dma_wait3A_79] : memref<1000x64xf32, #tpu.memory_space<hbm>> -> memref<1000x64xf32, #tpu.memory_space<hbm>>
    tpu.wait_indirect_dma semaphore(%arg13 : memref<!tpu.dma_semaphore, #tpu.memory_space<semaphore_mem>>) src(%dma_wait3A_80 : memref<1000x64xf32, #tpu.memory_space<hbm>>) dst(%dma_wait3A_75 : memref<256x64xf32, #tpu.memory_space<vmem>>)
    %dma_wait3A_81 = arith.constant 256 : i32
    %dma_wait3A_82 = arith.constant 0 : i32
    %dma_wait3A_83 = tpu.memref_slice %arg9[%dma_wait3A_81, %dma_wait3A_82] : memref<512x64xf32, #tpu.memory_space<vmem>> -> memref<256x64xf32, #tpu.memory_space<vmem>>
    %dma_wait3A_84 = arith.constant 256 : i32
    %dma_wait3A_85 = tpu.memref_slice %arg7[%dma_wait3A_84] : memref<512xi32, #tpu.memory_space<vmem>> -> memref<256xi32, #tpu.memory_space<vmem>>
    %dma_wait3A_86 = arith.constant 0 : i32
    %dma_wait3A_87 = arith.constant 0 : i32
    %dma_wait3A_88 = tpu.memref_slice %arg4[%dma_wait3A_86, %dma_wait3A_87] : memref<400x64xf32, #tpu.memory_space<hbm>> -> memref<400x64xf32, #tpu.memory_space<hbm>>
    tpu.wait_indirect_dma semaphore(%arg15 : memref<!tpu.dma_semaphore, #tpu.memory_space<semaphore_mem>>) src(%dma_wait3A_88 : memref<400x64xf32, #tpu.memory_space<hbm>>) dst(%dma_wait3A_83 : memref<256x64xf32, #tpu.memory_space<vmem>>)
    %parallel_loop3A_89 = arith.constant 256 : i32
    %parallel_loop3A_90 = arith.constant 512 : i32
    %parallel_loop3A_91 = arith.constant 1 : i32
    scf.for %parallel_loop3A_124 = %parallel_loop3A_89 to %parallel_loop3A_90 step %parallel_loop3A_91  : i32 {
      %parallel_loop3A_125 = arith.index_cast %parallel_loop3A_124 : i32 to index
      %parallel_loop3A_126 = arith.constant 0 : index
      %parallel_loop3A_127 = tpu.vector_load %arg8[%parallel_loop3A_125, %parallel_loop3A_126] {strides = array<i32>} : memref<512x64xf32, #tpu.memory_space<vmem>>, vector<1x16xf32>,
      %parallel_loop3A_128 = vector.shape_cast %parallel_loop3A_127 : vector<1x16xf32> to vector<16xf32>
      %parallel_loop3A_129 = arith.index_cast %parallel_loop3A_124 : i32 to index
      %parallel_loop3A_130 = arith.constant 0 : index
      %parallel_loop3A_131 = tpu.vector_load %arg9[%parallel_loop3A_129, %parallel_loop3A_130] {strides = array<i32>} : memref<512x64xf32, #tpu.memory_space<vmem>>, vector<1x16xf32>,
      %parallel_loop3A_132 = vector.shape_cast %parallel_loop3A_131 : vector<1x16xf32> to vector<16xf32>
      %parallel_loop3A_133 = arith.addf %parallel_loop3A_128, %parallel_loop3A_132 : vector<16xf32>
      %parallel_loop3A_134 = arith.index_cast %parallel_loop3A_124 : i32 to index
      %parallel_loop3A_135 = arith.constant 0 : index
      %parallel_loop3A_136 = tpu.vector_load %arg8[%parallel_loop3A_134, %parallel_loop3A_135] {strides = array<i32>} : memref<512x64xf32, #tpu.memory_space<vmem>>, vector<1x16xf32>,
      %parallel_loop3A_137 = vector.shape_cast %parallel_loop3A_136 : vector<1x16xf32> to vector<16xf32>
      %parallel_loop3A_138 = vector.shape_cast %parallel_loop3A_133 : vector<16xf32> to vector<1x16xf32>
      tpu.vector_store %arg8[%parallel_loop3A_134, %parallel_loop3A_135], %parallel_loop3A_138 {strides = array<i32>} : memref<512x64xf32, #tpu.memory_space<vmem>>, vector<1x16xf32>,
      %parallel_loop3A_139 = arith.index_cast %parallel_loop3A_124 : i32 to index
      %parallel_loop3A_140 = arith.constant 16 : index
      %parallel_loop3A_141 = tpu.vector_load %arg8[%parallel_loop3A_139, %parallel_loop3A_140] {strides = array<i32>} : memref<512x64xf32, #tpu.memory_space<vmem>>, vector<1x16xf32>,
      %parallel_loop3A_142 = vector.shape_cast %parallel_loop3A_141 : vector<1x16xf32> to vector<16xf32>
      %parallel_loop3A_143 = arith.index_cast %parallel_loop3A_124 : i32 to index
      %parallel_loop3A_144 = arith.constant 16 : index
      %parallel_loop3A_145 = tpu.vector_load %arg9[%parallel_loop3A_143, %parallel_loop3A_144] {strides = array<i32>} : memref<512x64xf32, #tpu.memory_space<vmem>>, vector<1x16xf32>,
      %parallel_loop3A_146 = vector.shape_cast %parallel_loop3A_145 : vector<1x16xf32> to vector<16xf32>
      %parallel_loop3A_147 = arith.addf %parallel_loop3A_142, %parallel_loop3A_146 : vector<16xf32>
      %parallel_loop3A_148 = arith.index_cast %parallel_loop3A_124 : i32 to index
      %parallel_loop3A_149 = arith.constant 16 : index
      %parallel_loop3A_150 = tpu.vector_load %arg8[%parallel_loop3A_148, %parallel_loop3A_149] {strides = array<i32>} : memref<512x64xf32, #tpu.memory_space<vmem>>, vector<1x16xf32>,
      %parallel_loop3A_151 = vector.shape_cast %parallel_loop3A_150 : vector<1x16xf32> to vector<16xf32>
      %parallel_loop3A_152 = vector.shape_cast %parallel_loop3A_147 : vector<16xf32> to vector<1x16xf32>
      tpu.vector_store %arg8[%parallel_loop3A_148, %parallel_loop3A_149], %parallel_loop3A_152 {strides = array<i32>} : memref<512x64xf32, #tpu.memory_space<vmem>>, vector<1x16xf32>,
      %parallel_loop3A_153 = arith.index_cast %parallel_loop3A_124 : i32 to index
      %parallel_loop3A_154 = arith.constant 32 : index
      %parallel_loop3A_155 = tpu.vector_load %arg8[%parallel_loop3A_153, %parallel_loop3A_154] {strides = array<i32>} : memref<512x64xf32, #tpu.memory_space<vmem>>, vector<1x16xf32>,
      %parallel_loop3A_156 = vector.shape_cast %parallel_loop3A_155 : vector<1x16xf32> to vector<16xf32>
      %parallel_loop3A_157 = arith.index_cast %parallel_loop3A_124 : i32 to index
      %parallel_loop3A_158 = arith.constant 32 : index
      %parallel_loop3A_159 = tpu.vector_load %arg9[%parallel_loop3A_157, %parallel_loop3A_158] {strides = array<i32>} : memref<512x64xf32, #tpu.memory_space<vmem>>, vector<1x16xf32>,
      %parallel_loop3A_160 = vector.shape_cast %parallel_loop3A_159 : vector<1x16xf32> to vector<16xf32>
      %parallel_loop3A_161 = arith.addf %parallel_loop3A_156, %parallel_loop3A_160 : vector<16xf32>
      %parallel_loop3A_162 = arith.index_cast %parallel_loop3A_124 : i32 to index
      %parallel_loop3A_163 = arith.constant 32 : index
      %parallel_loop3A_164 = tpu.vector_load %arg8[%parallel_loop3A_162, %parallel_loop3A_163] {strides = array<i32>} : memref<512x64xf32, #tpu.memory_space<vmem>>, vector<1x16xf32>,
      %parallel_loop3A_165 = vector.shape_cast %parallel_loop3A_164 : vector<1x16xf32> to vector<16xf32>
      %parallel_loop3A_166 = vector.shape_cast %parallel_loop3A_161 : vector<16xf32> to vector<1x16xf32>
      tpu.vector_store %arg8[%parallel_loop3A_162, %parallel_loop3A_163], %parallel_loop3A_166 {strides = array<i32>} : memref<512x64xf32, #tpu.memory_space<vmem>>, vector<1x16xf32>,
      %parallel_loop3A_167 = arith.index_cast %parallel_loop3A_124 : i32 to index
      %parallel_loop3A_168 = arith.constant 48 : index
      %parallel_loop3A_169 = tpu.vector_load %arg8[%parallel_loop3A_167, %parallel_loop3A_168] {strides = array<i32>} : memref<512x64xf32, #tpu.memory_space<vmem>>, vector<1x16xf32>,
      %parallel_loop3A_170 = vector.shape_cast %parallel_loop3A_169 : vector<1x16xf32> to vector<16xf32>
      %parallel_loop3A_171 = arith.index_cast %parallel_loop3A_124 : i32 to index
      %parallel_loop3A_172 = arith.constant 48 : index
      %parallel_loop3A_173 = tpu.vector_load %arg9[%parallel_loop3A_171, %parallel_loop3A_172] {strides = array<i32>} : memref<512x64xf32, #tpu.memory_space<vmem>>, vector<1x16xf32>,
      %parallel_loop3A_174 = vector.shape_cast %parallel_loop3A_173 : vector<1x16xf32> to vector<16xf32>
      %parallel_loop3A_175 = arith.addf %parallel_loop3A_170, %parallel_loop3A_174 : vector<16xf32>
      %parallel_loop3A_176 = arith.index_cast %parallel_loop3A_124 : i32 to index
      %parallel_loop3A_177 = arith.constant 48 : index
      %parallel_loop3A_178 = tpu.vector_load %arg8[%parallel_loop3A_176, %parallel_loop3A_177] {strides = array<i32>} : memref<512x64xf32, #tpu.memory_space<vmem>>, vector<1x16xf32>,
      %parallel_loop3A_179 = vector.shape_cast %parallel_loop3A_178 : vector<1x16xf32> to vector<16xf32>
      %parallel_loop3A_180 = vector.shape_cast %parallel_loop3A_175 : vector<16xf32> to vector<1x16xf32>
      tpu.vector_store %arg8[%parallel_loop3A_176, %parallel_loop3A_177], %parallel_loop3A_180 {strides = array<i32>} : memref<512x64xf32, #tpu.memory_space<vmem>>, vector<1x16xf32>,
    } {sc.loop_unroll_factor = 4 : i64, sc.parallel_access}
    %add3A_92 = arith.constant 256 : i32
    %add3A_93 = arith.addi %mul3A_2, %add3A_92 : i32
    %dma_start3A_94 = arith.constant 256 : i32
    %dma_start3A_95 = arith.constant 0 : i32
    %dma_start3A_96 = tpu.memref_slice %arg8[%dma_start3A_94, %dma_start3A_95] : memref<512x64xf32, #tpu.memory_space<vmem>> -> memref<256x64xf32, #tpu.memory_space<vmem>>
    %dma_start3A_97 = arith.constant 0 : i32
    %dma_start3A_98 = tpu.memref_slice %arg5[%add3A_93, %dma_start3A_97] : memref<16384x128xf32, #tpu.memory_space<hbm>> -> memref<256x64xf32, #tpu.memory_space<hbm>>
    %dma_start3A_99 = arith.constant 0 : i32
    %dma_start3A_100 = tpu.memref_slice %arg5[%add3A_93, %dma_start3A_99] : memref<16384x128xf32, #tpu.memory_space<hbm>> -> memref<256x64xf32, #tpu.memory_space<hbm>>
    %dma_start3A_101 = arith.constant 256 : i32
    %dma_start3A_102 = arith.constant 0 : i32
    %dma_start3A_103 = tpu.memref_slice %arg8[%dma_start3A_101, %dma_start3A_102] : memref<512x64xf32, #tpu.memory_space<vmem>> -> memref<256x64xf32, #tpu.memory_space<vmem>>
    tpu.enqueue_dma source(%dma_start3A_103 : memref<256x64xf32, #tpu.memory_space<vmem>>) target(%dma_start3A_100 : memref<256x64xf32, #tpu.memory_space<hbm>>) target_semaphore(%arg11 : memref<!tpu.dma_semaphore, #tpu.memory_space<semaphore_mem>>)
    %dma_wait3A_104 = arith.constant 0 : i32
    %dma_wait3A_105 = arith.constant 0 : i32
    %dma_wait3A_106 = tpu.memref_slice %arg8[%dma_wait3A_104, %dma_wait3A_105] : memref<512x64xf32, #tpu.memory_space<vmem>> -> memref<256x64xf32, #tpu.memory_space<vmem>>
    %dma_wait3A_107 = arith.constant 0 : i32
    %dma_wait3A_108 = tpu.memref_slice %arg5[%add3A_62, %dma_wait3A_107] : memref<16384x128xf32, #tpu.memory_space<hbm>> -> memref<256x64xf32, #tpu.memory_space<hbm>>
    %dma_wait3A_109 = arith.constant 0 : i32
    %dma_wait3A_110 = tpu.memref_slice %arg5[%add3A_62, %dma_wait3A_109] : memref<16384x128xf32, #tpu.memory_space<hbm>> -> memref<256x64xf32, #tpu.memory_space<hbm>>
    %dma_wait3A_111 = arith.constant 0 : i32
    %dma_wait3A_112 = arith.constant 0 : i32
    %dma_wait3A_113 = tpu.memref_slice %arg8[%dma_wait3A_111, %dma_wait3A_112] : memref<512x64xf32, #tpu.memory_space<vmem>> -> memref<256x64xf32, #tpu.memory_space<vmem>>
    tpu.wait_dma2 semaphore(%arg11 : memref<!tpu.dma_semaphore, #tpu.memory_space<semaphore_mem>>) src(%dma_wait3A_113 : memref<256x64xf32, #tpu.memory_space<vmem>>) dst(%dma_wait3A_110 : memref<256x64xf32, #tpu.memory_space<hbm>>)
    %dma_wait3A_114 = arith.constant 256 : i32
    %dma_wait3A_115 = arith.constant 0 : i32
    %dma_wait3A_116 = tpu.memref_slice %arg8[%dma_wait3A_114, %dma_wait3A_115] : memref<512x64xf32, #tpu.memory_space<vmem>> -> memref<256x64xf32, #tpu.memory_space<vmem>>
    %dma_wait3A_117 = arith.constant 0 : i32
    %dma_wait3A_118 = tpu.memref_slice %arg5[%add3A_93, %dma_wait3A_117] : memref<16384x128xf32, #tpu.memory_space<hbm>> -> memref<256x64xf32, #tpu.memory_space<hbm>>
    %dma_wait3A_119 = arith.constant 0 : i32
    %dma_wait3A_120 = tpu.memref_slice %arg5[%add3A_93, %dma_wait3A_119] : memref<16384x128xf32, #tpu.memory_space<hbm>> -> memref<256x64xf32, #tpu.memory_space<hbm>>
    %dma_wait3A_121 = arith.constant 256 : i32
    %dma_wait3A_122 = arith.constant 0 : i32
    %dma_wait3A_123 = tpu.memref_slice %arg8[%dma_wait3A_121, %dma_wait3A_122] : memref<512x64xf32, #tpu.memory_space<vmem>> -> memref<256x64xf32, #tpu.memory_space<vmem>>
    tpu.wait_dma2 semaphore(%arg11 : memref<!tpu.dma_semaphore, #tpu.memory_space<semaphore_mem>>) src(%dma_wait3A_123 : memref<256x64xf32, #tpu.memory_space<vmem>>) dst(%dma_wait3A_120 : memref<256x64xf32, #tpu.memory_space<hbm>>)
    return
  }
}

</mosaic_0001>

<sc_bundles>
// kernel: _poi_embedding.3.cloned.1.call-start
scs
__scs_entry_jumppad:
0x0: {  	(pc) =	sbr.rel $0x88, $3  }
0x1: {  	(tag) =	ssettag $0x0;
	lr =	simm.s32 $0x1  }
0x2: {  	[smem:$0x3F9E] =	sst lr;
	_ =	strace $0xD0000000  }
0x3: {  	_ = 	snop  }
0x4: {  	_ = 	snop  }
0x5: {  	_ = 	snop  }
0x6: {  	_ = 	snop  }
0x7: {  	_ = 	snop  }
__scs_overlays_trampoline_lowered:
0x8: {  	[smem:$0x3FAD] =	sst s0  }
0x9: {  	[smem:$0x3FAE] =	sst s1  }
0xa: {  	[smem:$0x3FAF] =	sst s2  }
0xb: {  	[smem:$0x3FB0] =	sst s3  }
0xc: {  	[smem:$0x3FB1] =	sst s4  }
0xd: {  	[smem:$0x3FB2] =	sst s5  }
0xe: {  	[smem:$0x3FB3] =	sst s6  }
0xf: {  	[smem:$0x3FB4] =	sst s7  }
0x10: {  	[smem:$0x3FB5] =	sst s8  }
0x11: {  	[smem:$0x3FB6] =	sst s9;
	s0 =	simm.s32 @!p0 $0x0  }
0x12: {  	s1 =	sld [smem:$0x3F9C];
	s0 =	simm.s32 @p0 $0x1  }
0x13: {  	[smem:$0x3FB7] =	sst s0;
	s0 =	simm.s32 @!p1 $0x0  }
0x14: {  	s2 =	sld [smem:$0x3F9B];
	s0 =	simm.s32 @p1 $0x1  }
0x15: {  	[smem:$0x3FB8] =	sst s0;
	s0 =	simm.s32 @!p2 $0x0  }
0x16: {  	s3 =	sld [smem:$0x3FDB];
	s0 =	simm.s32 @p2 $0x1  }
0x17: {  	s4 =	simm.s32 $0x1BF5;
	[smem:$0x3FBA] =	sst s0  }
0x18: {  	s0 =	sld [smem:$0x3F9D];
	_ =	swait.ge [sflag:s4], $0x0  }
0x19: {  	s7 =	sld [smem:$0x3F9E]  }
0x1a: {  	s8 =	sadd.s32 $0xFFFFE003, lr  }
0x1b: {  	s9 =	sadd.s32 $0xFFFFFEF7, lr;
	s5 =	simm.s32 $0xFFFFFFFF;
	p2 =	slt.u32 s8, $0xFFFFF086  }
0x1c: {  	p1 =	slt.u32 s9, $0xF7A;
	s5 =	simm.s32 @!p2 $0x0  }
0x1d: {  	s5 =	simm.s32 @p1 $0x1;
	p0 =	seq.s32 s7, s2  }
0x1e: {  	s7 =	smul.u32 @!p0 $0xF7A, s2;
	p2 =	seq.s32 @!p0 s5, $0x0  }
0x1f: {  	s9 =	smul.u32 $0xF7A, s1;
	s8 =	simm.s32 @!p0 $0x1BF5;
	p2 =	por !p2, p0  }
0x20: {  	[sflag:s8] =	ssyncset.s32 @!p0 $0xFFFFF086;
	s6 =	sadd.s32 @!p0 s3, s7;
	s7 =	simm.s32 @!p0 $0x108  }
0x21: {  	s3 =	sadd.s32 s3, s9;
	s6 =	sadd.s32 @!p0 $0x88, s6;
	s7 =	simm.s32 @p2 $0x1082  }
0x22: {  	[simem:s7], [sflag:s8] =	dma.local @!p0 [hbm:s6], $0xF7A  }
0x23: {  	s9 =	sor.u32 $0xD0000000, s2;
	s6 =	simm.s32 $0x108;
	_ =	swait.ge @!p0 [sflag:s8], $0x0  }
0x24: {  	s3 =	sadd.s32 $0x88, s3;
	s6 =	simm.s32 @!p1 $0x1082;
	[sflag:s4] =	ssyncset.s32 $0xFFFFF086  }
0x25: {  	[simem:s6], [sflag:s4] =	dma.local [hbm:s3], $0xF7A  }
0x26: {  	[smem:$0x3F9E] =	sst s1;
	(tag) =	ssettag s2;
	_ =	strace s9  }
0x27: {  	s1 =	sld [smem:$0x3FAE]  }
0x28: {  	s2 =	sld [smem:$0x3FAF]  }
0x29: {  	s4 =	sld [smem:$0x3FB1]  }
0x2a: {  	p0 =	seq.s32 s5, $0x0;
	s5 =	sld [smem:$0x3FB2]  }
0x2b: {  	s6 =	sld [smem:$0x3FB3]  }
0x2c: {  	s7 =	sld [smem:$0x3FB4]  }
0x2d: {  	s3 =	simm.s32 $0x108;
	s8 =	sld [smem:$0x3FB5]  }
0x2e: {  	s3 =	simm.s32 @!p0 $0x1082;
	s9 =	sld [smem:$0x3FB6]  }
0x2f: {  	lr =	sadd.s32 s0, s3;
	s0 =	sld [smem:$0x3FAD]  }
0x30: {  	s3 =	sld [smem:$0x3FB0]  }
0x31: {  	[smem:$0x3FB9] =	sst s10  }
0x32: {  	s10 =	sld [smem:$0x3FB7];
	_ =	sdelay $0x3  }
0x33: {  	p0 =	seq.s32 s10, $0x1;
	s10 =	sld [smem:$0x3FB9];
	_ =	sdelay $0x3  }
0x34: {  	[smem:$0x3FB9] =	sst s10  }
0x35: {  	s10 =	sld [smem:$0x3FB8];
	_ =	sdelay $0x3  }
0x36: {  	p1 =	seq.s32 s10, $0x1;
	s10 =	sld [smem:$0x3FB9];
	_ =	sdelay $0x3  }
0x37: {  	[smem:$0x3FB9] =	sst s10  }
0x38: {  	s10 =	sld [smem:$0x3FBA]  }
0x39: {  	_ = 	snop;
	(pc) =	sbr.ind lr, $3  }
0x3a: {  	_ = 	snop  }
0x3b: {  	_ = 	snop  }
0x3c: {  	p2 =	seq.s32 s10, $0x1;
	s10 =	sld [smem:$0x3FB9]  }
0x3d: {  	_ =	shalt  }
0x3e: {  	_ =	shalt  }
0x3f: {  	_ =	shalt  }
0x40: {  	_ =	shalt  }
0x41: {  	_ =	shalt  }
0x42: {  	_ =	shalt  }
0x43: {  	_ =	shalt  }
0x44: {  	_ =	shalt  }
0x45: {  	_ =	shalt  }
0x46: {  	_ =	shalt  }
0x47: {  	_ =	shalt  }
0x48: {  	_ =	shalt  }
0x49: {  	_ =	shalt  }
0x4a: {  	_ =	shalt  }
0x4b: {  	_ =	shalt  }
0x4c: {  	_ =	shalt  }
0x4d: {  	_ =	shalt  }
0x4e: {  	_ =	shalt  }
0x4f: {  	_ =	shalt  }
0x50: {  	_ =	shalt  }
0x51: {  	_ =	shalt  }
0x52: {  	_ =	shalt  }
0x53: {  	_ =	shalt  }
0x54: {  	_ =	shalt  }
0x55: {  	_ =	shalt  }
0x56: {  	_ =	shalt  }
0x57: {  	_ =	shalt  }
0x58: {  	_ =	shalt  }
0x59: {  	_ =	shalt  }
0x5a: {  	_ =	shalt  }
0x5b: {  	_ =	shalt  }
0x5c: {  	_ =	shalt  }
0x5d: {  	_ =	shalt  }
0x5e: {  	_ =	shalt  }
0x5f: {  	_ =	shalt  }
0x60: {  	_ =	shalt  }
0x61: {  	_ =	shalt  }
0x62: {  	_ =	shalt  }
0x63: {  	_ =	shalt  }
0x64: {  	_ =	shalt  }
0x65: {  	_ =	shalt  }
0x66: {  	_ =	shalt  }
0x67: {  	_ =	shalt  }
0x68: {  	_ =	shalt  }
0x69: {  	_ =	shalt  }
0x6a: {  	_ =	shalt  }
0x6b: {  	_ =	shalt  }
0x6c: {  	_ =	shalt  }
0x6d: {  	_ =	shalt  }
0x6e: {  	_ =	shalt  }
0x6f: {  	_ =	shalt  }
0x70: {  	_ =	shalt  }
0x71: {  	_ =	shalt  }
0x72: {  	_ =	shalt  }
0x73: {  	_ =	shalt  }
0x74: {  	_ =	shalt  }
0x75: {  	_ =	shalt  }
0x76: {  	_ =	shalt  }
0x77: {  	_ =	shalt  }
0x78: {  	_ =	shalt  }
0x79: {  	_ =	shalt  }
0x7a: {  	_ =	shalt  }
0x7b: {  	_ =	shalt  }
0x7c: {  	_ =	shalt  }
0x7d: {  	_ =	shalt  }
0x7e: {  	_ =	shalt  }
0x7f: {  	_ =	shalt  }
0x80: {  	_ =	shalt  }
0x81: {  	_ =	shalt  }
0x82: {  	_ =	shalt  }
0x83: {  	_ =	shalt  }
0x84: {  	_ =	shalt  }
0x85: {  	_ =	shalt  }
0x86: {  	_ =	shalt  }
0x87: {  	_ =	shalt  }
.Lfunc_end0:
.L_simem_size_0:
called_computation_lowered:
.L_overlay_start_0:
0x88: {  	s2 =	sld [smem:$0x3FD9]  }
0x89: {  	s3 =	sld [smem:$0x3FFE];
	_ =	sdelay $0x1  }
0x8a: {  	s1 =	srdreg.scid  }
0x8b: {  	s0 =	sand.u32 $0x1, s1  }
0x8c: {  	s17 =	sshll.u32 s0, $0xA;
	s2 =	sadd.s32 s3, s2  }
0x8d: {  	s2 =	sadd.s32 s2, s17  }
0x8e: {  	[smem:$0x3FC5] =	sst s2  }
0x8f: {  	_ = 	snop  }
0x90: {  	s2 =	sld [smem:$0x3FC9]  }
0x91: {  	s18 =	sld [smem:$0x3FD0];
	(tm) =	ssettm $0x1  }
0x92: {  	s4 =	sld [smem:$0x3FFB];
	_ =	sdelay $0x3  }
0x93: {  	_ =	strace s4  }
0x94: {  	s4 =	sld [smem:$0x3FFC];
	_ =	sdelay $0x3  }
0x95: {  	_ =	strace s4  }
0x96: {  	s4 =	sld [smem:$0x3FFD];
	_ =	sdelay $0x3  }
0x97: {  	_ =	strace s4  }
0x98: {  	_ =	strace $0x8FFFFFFF  }
0x99: {  	s19 =	sld [smem:$0x3FDB];
	_ =	sdelay $0x1  }
0x9a: {  	s5 =	simm.s32 $_scs_section_size  }
0x9b: {  	s6 =	simm.s32 $_size__tile_overlayer_lowered;
	s7 =	simm.s32 $_tile_overlayer_lowered  }
0x9c: {  	s22 =	simm.s32 $0x1BFF;
	s21 =	sshll.u32 s7, $0x1;
	s4 =	sadd.s32 s5, s19  }
0x9d: {  	s8 =	simm.s32 $0x0;
	s20 =	sshll.u32 s6, $0x1;
	s6 =	sadd.s32 s21, s4  }
0x9e: {  	[timem:s8], [sflag:s22] =	dma.local [hbm:s6], s20  }
0x9f: {  	_ =	swait.ge [sflag:s22], s20  }
0xa0: {  	s5 =	ssub.s32 $0x0, s20;
	[sflag:s22] =	ssyncset.done $0x0  }
0xa1: {  	[sflag:s22] =	ssyncadd.s32 s5;
	_ =	sdelay $0x1  }
0xa2: {  	s23 =	simm.s32 $0x1B8B  }
0xa3: {  	_ =	swait.ge [sflag:s23], $0x1  }
0xa4: {  	[sflag:s23] =	ssyncset.done $0x0  }
0xa5: {  	s25 =	simm.s32 $0x1B8E;
	s24 =	sld [smem:$0x3FFE];
	[sflag:s23] =	ssyncadd.s32 $0xFFFFFFFF  }
0xa6: {  	s26 =	simm.s32 $execute0_lowered;
	[smem:$0x3FD2] =	sst s25  }
0xa7: {  	s6 =	sshll.u32 s26, $0x1;
	_ =	strace $0x80000046;
	[dreg:$0x1] =	wrdreg $0xFFFFFFFF  }
0xa8: {  	s28 =	simm.s32 $_size_execute0_lowered;
	s4 =	sadd.s32 s4, s6;
	[dreg:$0x0] =	wrdreg $0x0  }
0xa9: {  	s6 =	sshll.u32 s28, $0x1;
	[dreg:$0x2] =	wrdreg s4  }
0xaa: {  	[dreg:$0x3] =	wrdreg s6  }
0xab: {  	[dreg:$0x4] =	wrdreg $0xC0  }
0xac: {  	_ =	task [dreg:s8], $0x5FFFF  }
0xad: {  	[dreg:$0x1] =	wrdreg $0xFFFFFFFF  }
0xae: {  	[dreg:$0x0] =	wrdreg $0x60  }
0xaf: {  	[dreg:$0x2] =	wrdreg s2  }
0xb0: {  	[dreg:$0x3] =	wrdreg s24  }
0xb1: {  	[dreg:$0x4] =	wrdreg s18  }
0xb2: {  	[dreg:$0x5] =	wrdreg $0x9  }
0xb3: {  	_ =	task.clear_ibuf [dreg:s8], $0x6FFFF;
	_ =	strace $0x90000046  }
0xb4: {  	s29 =	simm.s32 $0x9;
	_ =	strace $0x80000048  }
0xb5: {  	_ =	swait.ge [sflag:s29], $0x1  }
0xb6: {  	[sflag:s29] =	ssyncadd.s32 $0xFFFFFFFF  }
0xb7: {  	_ =	strace $0x90000048  }
0xb8: {  	_ =	sfence  }
0xb9: {  	s30 =	sld [smem:$0x0];
	_ =	sdelay $0x2  }
0xba: {  	s31 =	sshll.u32 s1, $0xD;
	s1 =	sshrl.u32 s1, $0x2  }
0xbb: {  	s3 =	sand.u32 $0x4000, s31;
	s1 =	sadd.s32 s1, s30  }
0xbc: {  	s0 =	sor.u32 s3, s0;
	s1 =	sshll.u32 s1, $0x11  }
0xbd: {  	s0 =	sor.u32 s1, s0  }
0xbe: {  	s0 =	sadd.s32 $0x8F2B, s0  }
0xbf: {  	[sflag:s0] =	ssyncadd.remote.s32 $0x1  }
0xc0: {  	_ =	sfence.sel $0xFFFF  }
0xc1: {  	[dreg:$0x0] =	wrdreg $0xFFFFFFFF;
	(pc) =	sbr.abs _section_cstart, $3  }
0xc2: {  	[dreg:$0x1] =	wrdreg $0xFFFFFFFF  }
0xc3: {  	_ =	task.clear_ibuf [dreg:s8], $0x2FFFF;
	_ =	strace $0x9FFFFFFF  }
0xc4: {  	(tm) =	ssettm $0x7FFFFFFF  }
0xc5: {  	_ =	shalt  }
tec
execute0_lowered:
.L_overlay_start_1:
0x0: {  	(tag) =	ssettag $0x1  }
0x1: {  	s5 =	rddreg [dreg:$0x0]  }
0x2: {  	s4 =	rddreg [dreg:$0x1]  }
0x3: {  	s7 =	rddreg [dreg:$0x2]  }
0x4: {  	s0 =	rddreg [dreg:$0x3];
	s3 =	srdreg.scid  }
0x5: {  	s2 =	simm.s32 $0x0;
	s1 =	stileid.u32;
	s11 =	simm.s32 $0x1  }
0x6: {  	s12 =	simm.s32 $0x100;
	s13 =	simm.s32 $0x400;
	s14 =	simm.s32 $0x8400  }
0x7: {  	s15 =	simm.s32 $0x4400;
	s16 =	simm.s32 $0x300;
	s17 =	simm.s32 $0xC400  }
0x8: {  	s18 =	simm.s32 $0x3;
	s19 =	simm.s32 $0x5;
	s20 =	simm.s32 $0x40  }
0x9: {  	s21 =	simm.s32 $0x80;
	s22 =	simm.s32 $0x4;
	s23 =	simm.s32 $0x6  }
0xa: {  	s24 =	simm.s32 $0x2;
	s25 =	simm.s32 $0x0;
	s6 =	sand.u32 $0x1, s3  }
0xb: {  	[smem:$0x7FF] =	sst s2;
	s8 =	sshll.u32 s1, $0xA;
	s3 =	sadd.s32 $0x1200, s4  }
0xc: {  	s4 =	sadd.s32 $0x400, s4;
	s9 =	sshll.u32 s6, $0x9;
	s6 =	ssub.s32 $0x2, s6  }
0xd: {  	_ =	strace $0x80000047;
	s8 =	sor.u32 s9, s8;
	s10 =	sshrl.u32 s6, $0x1  }
0xe: {  	s9 =	sshrl.u32 s8, $0x3;
	s8 =	sshll.u32 s8, $0x4;
	s31 =	ssub.s32 s6, s10  }
0xf: {  	s10 =	simm.s32 $0x200;
	s5 =	sadd.s32 s5, s9;
	s7 =	sadd.s32 s7, s8  }
0x10: {  	s9 =	smax.u32 s31, $0x1;
	s6 =	sadd.s32 $0x800, s5;
	s8 =	sadd.s32 $0x1000, s7  }
.LBB2_1:
0x11: {  	[tilespmem:s2], [sflag:$0x1] =	stream.linear.gather [hbm4b:s5+s2], $0x200, $0x38;
	[tilespmem:$0x10400] =	vst v63  }
0x12: {  	_ = 	snop  }
0x13: {  	[tilespmem:s10], [sflag:$0x1] =	stream.linear.gather [hbm4b:s6+s2], $0x200, $0x38;
	[tilespmem:$0x10400] =	vst v63  }
0x14: {  	_ =	swait.ge [sflag:s11], $0x200  }
0x15: {  	[sflag:s11] =	ssyncset.done $0x0  }
0x16: {  	[sflag:s11] =	ssyncadd.s32 $0xFFFFFE00  }
0x17: {  	_ =	swait.ge [sflag:s11], $0x200  }
0x18: {  	[sflag:s11] =	ssyncset.done $0x0  }
0x19: {  	[sflag:s11] =	ssyncadd.s32 $0xFFFFFE00  }
0x1a: {  	[tilespmem:s13], [sflag:$0x3] =	stream.indirect.gather [hbm4b:s3+s12], $0x40, s2, s12, $0xb8;
	[tilespmem:$0x10400] =	vst v63  }
0x1b: {  	_ = 	snop  }
0x1c: {  	[tilespmem:s14], [sflag:$0x5] =	stream.indirect.gather [hbm4b:s4+s12], $0x40, s10, s12, $0xb8;
	[tilespmem:$0x10400] =	vst v63  }
0x1d: {  	_ = 	snop  }
0x1e: {  	[tilespmem:s15], [sflag:$0x4] =	stream.indirect.gather [hbm4b:s3+s12], $0x40, s12, s12, $0xb8;
	[tilespmem:$0x10400] =	vst v63  }
0x1f: {  	_ = 	snop  }
0x20: {  	[tilespmem:s17], [sflag:$0x6] =	stream.indirect.gather [hbm4b:s4+s12], $0x40, s16, s12, $0xb8;
	[tilespmem:$0x10400] =	vst v63  }
0x21: {  	_ =	swait.ge [sflag:s18], $0x4000  }
0x22: {  	[sflag:s18] =	ssyncset.done $0x0  }
0x23: {  	[sflag:s18] =	ssyncadd.s32 $0xFFFFC000  }
0x24: {  	_ =	swait.ge [sflag:s19], $0x4000  }
0x25: {  	[sflag:s19] =	ssyncset.done $0x0  }
0x26: {  	s26 =	simm.s32 $0x480;
	[sflag:s19] =	ssyncadd.s32 $0xFFFFC000  }
0x27: {  	s28 =	simm.s32 $0x8480;
	v0 =	vld [tilespmem:s26+$0x40]  }
0x28: {  	v1 =	vld [tilespmem:s28+$0x40]  }
0x29: {  	v2 =	vld [tilespmem:s26+$0xFFFFFFC0]  }
0x2a: {  	v3 =	vld [tilespmem:s28+$0xFFFFFFC0]  }
0x2b: {  	v4 =	vld [tilespmem:s26+$0x0]  }
0x2c: {  	v5 =	vld [tilespmem:s28+$0x0]  }
0x2d: {  	v6 =	vld [tilespmem:s26+$0xFFFFFF80];
	v0 =	vadd.f32 v1, v0  }
0x2e: {  	v1 =	vld [tilespmem:s28+$0xFFFFFF80]  }
0x2f: {  	[tilespmem:s26+$0x40] =	vst v0;
	v0 =	vld [tilespmem:s26+$0x50]  }
0x30: {  	v2 =	vadd.f32 v3, v2;
	v3 =	vld [tilespmem:s28+$0x50]  }
0x31: {  	v7 =	vld [tilespmem:s26+$0xFFFFFF90]  }
0x32: {  	[tilespmem:s26+$0xFFFFFFC0] =	vst v2;
	v2 =	vadd.f32 v5, v4;
	v4 =	vld [tilespmem:s26+$0xFFFFFFD0]  }
0x33: {  	v5 =	vld [tilespmem:s28+$0xFFFFFFD0];
	v1 =	vadd.f32 v1, v6  }
0x34: {  	[tilespmem:s26+$0x0] =	vst v2;
	v2 =	vld [tilespmem:s26+$0x10]  }
0x35: {  	v6 =	vld [tilespmem:s28+$0x10];
	[tilespmem:s26+$0xFFFFFF80] =	vst v1;
	v0 =	vadd.f32 v3, v0  }
0x36: {  	v1 =	vld [tilespmem:s28+$0xFFFFFF90]  }
0x37: {  	[tilespmem:s26+$0x50] =	vst v0;
	v0 =	vld [tilespmem:s26+$0x60]  }
0x38: {  	v3 =	vadd.f32 v5, v4;
	v4 =	vld [tilespmem:s28+$0x60]  }
0x39: {  	v5 =	vld [tilespmem:s26+$0xFFFFFFA0]  }
0x3a: {  	[tilespmem:s26+$0xFFFFFFD0] =	vst v3;
	v2 =	vadd.f32 v6, v2;
	v3 =	vld [tilespmem:s26+$0xFFFFFFE0]  }
0x3b: {  	v6 =	vld [tilespmem:s28+$0xFFFFFFE0];
	v1 =	vadd.f32 v1, v7  }
0x3c: {  	[tilespmem:s26+$0x10] =	vst v2;
	v2 =	vld [tilespmem:s26+$0x20]  }
0x3d: {  	v7 =	vld [tilespmem:s28+$0x20];
	[tilespmem:s26+$0xFFFFFF90] =	vst v1;
	v0 =	vadd.f32 v4, v0  }
0x3e: {  	v4 =	vld [tilespmem:s28+$0xFFFFFFA0]  }
0x3f: {  	v8 =	vld [tilespmem:s26+$0x70];
	[tilespmem:s26+$0x60] =	vst v0  }
0x40: {  	v1 =	vadd.f32 v6, v3;
	v6 =	vld [tilespmem:s28+$0x70]  }
0x41: {  	v0 =	vld [tilespmem:s26+$0xFFFFFFB0]  }
0x42: {  	[tilespmem:s26+$0xFFFFFFE0] =	vst v1;
	v2 =	vadd.f32 v7, v2;
	v1 =	vld [tilespmem:s26+$0xFFFFFFF0]  }
0x43: {  	v3 =	vld [tilespmem:s28+$0xFFFFFFF0];
	v4 =	vadd.f32 v4, v5  }
0x44: {  	[tilespmem:s26+$0x20] =	vst v2;
	v2 =	vld [tilespmem:s26+$0x30]  }
0x45: {  	[tilespmem:s26+$0xFFFFFFA0] =	vst v4;
	v4 =	vld [tilespmem:s28+$0x30];
	v6 =	vadd.f32 v6, v8  }
0x46: {  	s29 =	simm.s32 $0x0;
	s30 =	simm.s32 $0x580;
	v5 =	vld [tilespmem:s28+$0xFFFFFFB0]  }
.LBB2_2:
0x47: {  	v7 =	vld [tilespmem:s30+$0x40];
	[tilespmem:s26+$0x70] =	vst v6;
	s28 =	sadd.s32 $0x100, s28  }
0x48: {  	s29 =	sadd.s32 $0x4, s29;
	v6 =	vld [tilespmem:s28+$0x40];
	v1 =	vadd.f32 v3, v1  }
0x49: {  	p0 =	slt.u32 s29, $0xFC;
	v3 =	vld [tilespmem:s28+$0xFFFFFF80]  }
0x4a: {  	v8 =	vld [tilespmem:s30+$0xFFFFFFC0];
	[tilespmem:s26+$0xFFFFFFF0] =	vst v1;
	v1 =	vadd.f32 v4, v2  }
0x4b: {  	v2 =	vld [tilespmem:s28+$0xFFFFFFC0];
	v0 =	vadd.f32 v5, v0  }
0x4c: {  	v4 =	vld [tilespmem:s30+$0x0];
	[tilespmem:s26+$0x30] =	vst v1  }
0x4d: {  	v1 =	vld [tilespmem:s28+$0x0];
	v5 =	vadd.f32 v6, v7;
	[tilespmem:s26+$0xFFFFFFB0] =	vst v0;
	s26 =	smov.u32 s30  }
0x4e: {  	v0 =	vld [tilespmem:s30+$0xFFFFFF80]  }
0x4f: {  	[tilespmem:s30+$0x40] =	vst v5;
	v5 =	vld [tilespmem:s30+$0x50]  }
0x50: {  	v2 =	vadd.f32 v2, v8;
	v6 =	vld [tilespmem:s28+$0x50]  }
0x51: {  	v7 =	vld [tilespmem:s30+$0xFFFFFF90]  }
0x52: {  	[tilespmem:s30+$0xFFFFFFC0] =	vst v2;
	v2 =	vld [tilespmem:s30+$0xFFFFFFD0];
	v1 =	vadd.f32 v1, v4  }
0x53: {  	v0 =	vadd.f32 v3, v0;
	v3 =	vld [tilespmem:s28+$0xFFFFFFD0]  }
0x54: {  	[tilespmem:s30+$0x0] =	vst v1;
	v1 =	vld [tilespmem:s30+$0x10]  }
0x55: {  	[tilespmem:s30+$0xFFFFFF80] =	vst v0;
	v0 =	vld [tilespmem:s28+$0x10];
	v4 =	vadd.f32 v6, v5  }
0x56: {  	v5 =	vld [tilespmem:s28+$0xFFFFFF90]  }
0x57: {  	[tilespmem:s30+$0x50] =	vst v4;
	v4 =	vld [tilespmem:s30+$0x60]  }
0x58: {  	v2 =	vadd.f32 v3, v2;
	v3 =	vld [tilespmem:s28+$0x60]  }
0x59: {  	v6 =	vld [tilespmem:s30+$0xFFFFFFA0]  }
0x5a: {  	[tilespmem:s30+$0xFFFFFFD0] =	vst v2;
	v2 =	vld [tilespmem:s30+$0xFFFFFFE0];
	v0 =	vadd.f32 v0, v1  }
0x5b: {  	v1 =	vadd.f32 v5, v7;
	v5 =	vld [tilespmem:s28+$0xFFFFFFE0]  }
0x5c: {  	[tilespmem:s30+$0x10] =	vst v0;
	v7 =	vld [tilespmem:s30+$0x20]  }
0x5d: {  	[tilespmem:s30+$0xFFFFFF90] =	vst v1;
	v8 =	vld [tilespmem:s28+$0x20];
	v0 =	vadd.f32 v3, v4  }
0x5e: {  	v3 =	vld [tilespmem:s28+$0xFFFFFFA0]  }
0x5f: {  	[tilespmem:s30+$0x60] =	vst v0;
	v9 =	vld [tilespmem:s30+$0x70]  }
0x60: {  	v1 =	vadd.f32 v5, v2;
	v5 =	vld [tilespmem:s28+$0x70]  }
0x61: {  	v0 =	vld [tilespmem:s30+$0xFFFFFFB0]  }
.Ltmp0:
0x62: {  	[tilespmem:s30+$0xFFFFFFE0] =	vst v1;
	v1 =	vld [tilespmem:s30+$0xFFFFFFF0];
	v2 =	vadd.f32 v8, v7;
	(pc) =	sbr.rel @p0 .LBB2_2-.Ltmp0, $4  }
0x63: {  	v4 =	vadd.f32 v3, v6;
	v3 =	vld [tilespmem:s28+$0xFFFFFFF0]  }
0x64: {  	[tilespmem:s30+$0x20] =	vst v2;
	v2 =	vld [tilespmem:s30+$0x30]  }
0x65: {  	[tilespmem:s30+$0xFFFFFFA0] =	vst v4;
	v4 =	vld [tilespmem:s28+$0x30];
	v6 =	vadd.f32 v5, v9  }
0x66: {  	s30 =	sadd.s32 $0x100, s30;
	v5 =	vld [tilespmem:s28+$0xFFFFFFB0]  }
0x67: {  	_ =	sdelay $0x1  }
0x68: {  	v1 =	vadd.f32 v3, v1  }
0x69: {  	[tilespmem:s26+$0x70] =	vst v6;
	v2 =	vadd.f32 v4, v2  }
0x6a: {  	[tilespmem:s26+$0xFFFFFFF0] =	vst v1;
	v0 =	vadd.f32 v5, v0  }
0x6b: {  	[tilespmem:s26+$0x30] =	vst v2  }
0x6c: {  	[tilespmem:s26+$0xFFFFFFB0] =	vst v0  }
0x6d: {  	[hbm4b:s7+s20] =	stream.strided.scatter [tilespmem:s13], [sflag:$0x2], $0x4000, s21, s20, $0x38;
	[tilespmem:$0x10400] =	vst v63  }
0x6e: {  	_ =	swait.ge [sflag:s22], $0x4000  }
0x6f: {  	[sflag:s22] =	ssyncset.done $0x0  }
0x70: {  	[sflag:s22] =	ssyncadd.s32 $0xFFFFC000  }
0x71: {  	_ =	swait.ge [sflag:s23], $0x4000  }
0x72: {  	[sflag:s23] =	ssyncset.done $0x0  }
0x73: {  	s26 =	simm.s32 $0x0;
	[sflag:s23] =	ssyncadd.s32 $0xFFFFC000  }
0x74: {  	v0 =	vld [tilespmem:s26+$0x44F0]  }
0x75: {  	v1 =	vld [tilespmem:s26+$0xC4F0]  }
0x76: {  	v2 =	vld [tilespmem:s26+$0x4400]  }
0x77: {  	v3 =	vld [tilespmem:s26+$0xC400]  }
0x78: {  	v4 =	vld [tilespmem:s26+$0x4410]  }
0x79: {  	v5 =	vld [tilespmem:s26+$0xC410]  }
0x7a: {  	v6 =	vld [tilespmem:s26+$0x4420]  }
0x7b: {  	v7 =	vld [tilespmem:s26+$0xC420]  }
0x7c: {  	v8 =	vld [tilespmem:s26+$0x4430]  }
0x7d: {  	v9 =	vld [tilespmem:s26+$0xC430]  }
0x7e: {  	v10 =	vld [tilespmem:s26+$0x4440]  }
0x7f: {  	v11 =	vld [tilespmem:s26+$0xC440]  }
0x80: {  	v12 =	vld [tilespmem:s26+$0x4450]  }
0x81: {  	v13 =	vld [tilespmem:s26+$0xC450]  }
0x82: {  	v14 =	vld [tilespmem:s26+$0x4460]  }
0x83: {  	v15 =	vld [tilespmem:s26+$0xC460]  }
0x84: {  	v16 =	vld [tilespmem:s26+$0x4470]  }
0x85: {  	v61 =	vld [tilespmem:s26+$0xC4A0];
	v0 =	vadd.f32 v1, v0  }
0x86: {  	v1 =	vld [tilespmem:s26+$0xC470];
	v2 =	vadd.f32 v3, v2  }
0x87: {  	v3 =	vld [tilespmem:s26+$0x4480];
	[tilespmem:s26+$0x44F0] =	vst v0;
	v0 =	vadd.f32 v5, v4  }
0x88: {  	v4 =	vld [tilespmem:s26+$0xC480];
	[tilespmem:s26+$0x4400] =	vst v2;
	v2 =	vadd.f32 v7, v6  }
0x89: {  	v5 =	vld [tilespmem:s26+$0x4490];
	[tilespmem:s26+$0x4410] =	vst v0;
	v0 =	vadd.f32 v9, v8  }
0x8a: {  	v6 =	vld [tilespmem:s26+$0xC490];
	[tilespmem:s26+$0x4420] =	vst v2;
	v2 =	vadd.f32 v11, v10  }
0x8b: {  	v7 =	vld [tilespmem:s26+$0x44A0];
	v1 =	vadd.f32 v1, v16;
	[tilespmem:s26+$0x4430] =	vst v0  }
0x8c: {  	v62 =	vld [tilespmem:s26+$0x44B0];
	v0 =	vadd.f32 v13, v12;
	[tilespmem:s26+$0x4440] =	vst v2  }
0x8d: {  	v63 =	vld [tilespmem:s26+$0xC4B0];
	v2 =	vadd.f32 v15, v14;
	[tilespmem:s26+$0x4470] =	vst v1  }
0x8e: {  	v3 =	vadd.f32 v4, v3;
	[tilespmem:s26+$0x4450] =	vst v0;
	v0 =	vld [tilespmem:s26+$0x44C0]  }
0x8f: {  	v4 =	vadd.f32 v6, v5;
	[tilespmem:s26+$0x4460] =	vst v2;
	v2 =	vld [tilespmem:s26+$0xC4C0]  }
0x90: {  	v5 =	vadd.f32 v61, v7;
	v1 =	vld [tilespmem:s26+$0x44D0];
	[tilespmem:s26+$0x4480] =	vst v3  }
0x91: {  	[tilespmem:s26+$0x4490] =	vst v4;
	v3 =	vld [tilespmem:s26+$0xC4D0]  }
0x92: {  	s28 =	simm.s32 $0x100;
	s29 =	simm.s32 $0x400;
	[tilespmem:s26+$0x44A0] =	vst v5;
	v5 =	vadd.f32 v63, v62;
	v4 =	vld [tilespmem:s26+$0x44E0]  }
.LBB2_4:
0x93: {  	s30 =	sshra.s32 s29, $0x2;
	v6 =	vld [tilespmem:s26+$0xC4E0]  }
0x94: {  	s28 =	sadd.s32 $0x4, s28;
	v7 =	vld [tilespmem:s30+$0x44F0];
	[tilespmem:s26+$0x44B0] =	vst v5;
	v0 =	vadd.f32 v2, v0  }
0x95: {  	p0 =	slt.u32 s28, $0x1FC;
	v2 =	vld [tilespmem:s30+$0xC4F0]  }
0x96: {  	v5 =	vld [tilespmem:s30+$0x4400];
	[tilespmem:s26+$0x44C0] =	vst v0;
	v0 =	vadd.f32 v3, v1  }
0x97: {  	v1 =	vld [tilespmem:s30+$0xC400]  }
0x98: {  	v3 =	vld [tilespmem:s30+$0x4410];
	[tilespmem:s26+$0x44D0] =	vst v0;
	v0 =	vadd.f32 v6, v4  }
0x99: {  	v4 =	vld [tilespmem:s30+$0xC410]  }
0x9a: {  	v6 =	vld [tilespmem:s30+$0x4420];
	v2 =	vadd.f32 v2, v7;
	[tilespmem:s26+$0x44E0] =	vst v0;
	s26 =	smov.u32 s30  }
0x9b: {  	v0 =	vld [tilespmem:s26+$0xC420]  }
0x9c: {  	v1 =	vadd.f32 v1, v5;
	v5 =	vld [tilespmem:s26+$0x4430];
	[tilespmem:s26+$0x44F0] =	vst v2  }
0x9d: {  	v2 =	vld [tilespmem:s26+$0xC430]  }
0x9e: {  	[tilespmem:s26+$0x4400] =	vst v1;
	v1 =	vadd.f32 v4, v3;
	v3 =	vld [tilespmem:s26+$0x4440]  }
0x9f: {  	v4 =	vld [tilespmem:s26+$0xC440]  }
0xa0: {  	[tilespmem:s26+$0x4410] =	vst v1;
	v0 =	vadd.f32 v0, v6;
	v1 =	vld [tilespmem:s26+$0x4450]  }
0xa1: {  	v6 =	vld [tilespmem:s26+$0xC450]  }
0xa2: {  	[tilespmem:s26+$0x4420] =	vst v0;
	v0 =	vadd.f32 v2, v5;
	v2 =	vld [tilespmem:s26+$0x4460]  }
0xa3: {  	v5 =	vld [tilespmem:s26+$0xC460]  }
0xa4: {  	[tilespmem:s26+$0x4430] =	vst v0;
	v0 =	vadd.f32 v4, v3;
	v3 =	vld [tilespmem:s26+$0x4470]  }
0xa5: {  	v4 =	vld [tilespmem:s26+$0xC470]  }
0xa6: {  	[tilespmem:s26+$0x4440] =	vst v0;
	v0 =	vadd.f32 v6, v1;
	v1 =	vld [tilespmem:s26+$0x4480]  }
0xa7: {  	v6 =	vld [tilespmem:s26+$0xC480]  }
0xa8: {  	[tilespmem:s26+$0x4450] =	vst v0;
	v0 =	vadd.f32 v5, v2;
	v2 =	vld [tilespmem:s26+$0x4490]  }
0xa9: {  	v5 =	vld [tilespmem:s26+$0xC490]  }
0xaa: {  	[tilespmem:s26+$0x4460] =	vst v0;
	v0 =	vadd.f32 v4, v3;
	v3 =	vld [tilespmem:s26+$0x44A0]  }
0xab: {  	v4 =	vld [tilespmem:s26+$0xC4A0]  }
0xac: {  	[tilespmem:s26+$0x4470] =	vst v0;
	v0 =	vadd.f32 v6, v1;
	v6 =	vld [tilespmem:s26+$0x44B0]  }
0xad: {  	v7 =	vld [tilespmem:s26+$0xC4B0]  }
.Ltmp1:
0xae: {  	[tilespmem:s26+$0x4480] =	vst v0;
	v1 =	vadd.f32 v5, v2;
	v0 =	vld [tilespmem:s26+$0x44C0];
	(pc) =	sbr.rel @p0 .LBB2_4-.Ltmp1, $4  }
0xaf: {  	v2 =	vld [tilespmem:s26+$0xC4C0]  }
0xb0: {  	[tilespmem:s26+$0x4490] =	vst v1;
	v4 =	vadd.f32 v4, v3;
	v1 =	vld [tilespmem:s26+$0x44D0]  }
0xb1: {  	v3 =	vld [tilespmem:s26+$0xC4D0]  }
0xb2: {  	s29 =	sadd.s32 $0x400, s29;
	[tilespmem:s26+$0x44A0] =	vst v4;
	v5 =	vadd.f32 v7, v6;
	v4 =	vld [tilespmem:s26+$0x44E0]  }
0xb3: {  	v6 =	vld [tilespmem:s26+$0xC4E0];
	_ =	sdelay $0x2  }
0xb4: {  	v0 =	vadd.f32 v2, v0  }
0xb5: {  	[tilespmem:s26+$0x44B0] =	vst v5;
	v1 =	vadd.f32 v3, v1  }
0xb6: {  	[tilespmem:s26+$0x44C0] =	vst v0;
	v63 =	vadd.f32 v6, v4  }
0xb7: {  	[tilespmem:s26+$0x44D0] =	vst v1  }
0xb8: {  	s25 =	sadd.s32 $0x1, s25;
	[tilespmem:s26+$0x44E0] =	vst v63  }
0xb9: {  	[hbm4b:s8+s20] =	stream.strided.scatter [tilespmem:s15], [sflag:$0x2], $0x4000, s21, s20, $0x38;
	[tilespmem:$0x10400] =	vst v63  }
0xba: {  	p0 =	sne.s32 s25, s9;
	_ =	swait.ge [sflag:s24], $0x4000  }
.Ltmp2:
0xbb: {  	[sflag:s24] =	ssyncset.done $0x0;
	(pc) =	sbr.rel @p0 .LBB2_1-.Ltmp2, $4  }
0xbc: {  	[sflag:s24] =	ssyncadd.s32 $0xFFFFC000  }
0xbd: {  	_ =	swait.ge [sflag:s24], $0x4000  }
0xbe: {  	[sflag:s24] =	ssyncset.done $0x0  }
0xbf: {  	[sflag:s24] =	ssyncadd.s32 $0xFFFFC000  }
0xc0: {  	_ =	sfence.sel $0x180000  }
0xc1: {  	[bflag:$0x0] =	sbarrier.arrive $0xFFFF  }
0xc2: {  	p0 =	sne.s32 s1, $0x0;
	_ =	strace $0x90000047  }
0xc3: {  	s0 =	sadd.s32 @!p0 $0x100000, s0;
	[bflag:$0x2] =	sbarrier.arrive $0xFFFF  }
0xc4: {  	[sflag:s0] =	ssyncadd.tile.s32 @!p0 $0x1;
	_ =	shalt  }
.Lfunc_end2:
_tile_overlayer_lowered:
.L_overlay_start_2:
0xc5: {  	(tag) =	ssettag $0x2  }
0xc6: {  	s0 =	rddreg [dreg:$0x0];
	s2 =	stileid.u32  }
0xc7: {  	s1 =	rddreg [dreg:$0x1];
	p0 =	sne.s32 s2, $0x0  }
0xc8: {  	s3 =	rddreg [dreg:$0x2];
	[bflag:$0x3] =	sbarrier.arrive $0xFFFF;
	s2 =	simm.s32 @!p0 $0x1C07  }
0xc9: {  	[timem:s3], [sflag:s2] =	dma.local @!p0 [hbm:s0], s1  }
0xca: {  	s0 =	simm.s32 @!p0 $0x7  }
0xcb: {  	_ =	swait.ge @!p0 [sflag:s0], s1  }
0xcc: {  	s1 =	ssub.s32 @!p0 $0x0, s1;
	[sflag:s0] =	ssyncset.done @!p0 $0x0  }
0xcd: {  	[sflag:s0] =	ssyncadd.s32 @!p0 s1  }
0xce: {  	[bflag:$0x3] =	sbarrier.arrive $0xFFFF  }
0xcf: {  	_ =	shalt  }

</sc_bundles>
